<compile_context>
chip_gen: v7x
topology: tpu7x:2x2x1
jax: 0.10.2.dev20260603
libtpu: 0.0.44.dev20260713+nightly
codegen_flags: <defaults>
</compile_context>

<pallas_src>
import functools

import jax
import jax.numpy as jnp
from jax import lax
from jax.experimental import pallas as pl
from jax.experimental.pallas import tpu as pltpu
from jax.experimental.pallas import tpu_sc as plsc

_NW = 32
_C = 256
_D_PAD = 128


def _tc_format(table_t, v, d):
    blk = 8192
    grid = (v + blk - 1) // blk

    def body(t_ref, o_ref):
        o_ref[:, :d] = t_ref[...].T

    return pl.pallas_call(
        body,
        grid=(grid,),
        in_specs=[pl.BlockSpec((d, blk), lambda i: (0, i))],
        out_specs=pl.BlockSpec((blk, _D_PAD), lambda i: (i, 0)),
        out_shape=jax.ShapeDtypeStruct((v, _D_PAD), table_t.dtype),
    )(table_t)


def _sc_gather(table_pad, idx, n_idx, d):
    per_w = n_idx // _NW
    steps = per_w // _C
    mesh = plsc.VectorSubcoreMesh(core_axis_name="c", subcore_axis_name="s")

    @functools.partial(
        pl.kernel,
        out_type=jax.ShapeDtypeStruct((n_idx, _D_PAD), table_pad.dtype),
        mesh=mesh,
        compiler_params=pltpu.CompilerParams(use_tc_tiling_on_sc=True),
        scratch_types=[
            pltpu.VMEM((per_w,), jnp.int32),
            pltpu.VMEM((_C, _D_PAD), jnp.float32),
            pltpu.VMEM((_C, _D_PAD), jnp.float32),
            pltpu.SemaphoreType.DMA,
            pltpu.SemaphoreType.DMA,
            pltpu.SemaphoreType.DMA,
            pltpu.SemaphoreType.DMA,
        ],
    )
    def k(table_hbm, idx_hbm, out_hbm, idx_v, r0, r1, g0, g1, w0, w1):
        wid = lax.axis_index("s") * 2 + lax.axis_index("c")
        base = wid * per_w
        pltpu.sync_copy(idx_hbm.at[pl.ds(base, per_w)], idx_v)
        rows = (r0, r1)
        gsem = (g0, g1)
        wsem = (w0, w1)

        def fire_gather(j, b):
            pltpu.async_copy(
                table_hbm.at[idx_v.at[pl.ds(j * _C, _C)]], rows[b], gsem[b]
            )

        def wait_gather(b):
            pltpu.make_async_copy(
                table_hbm.at[idx_v.at[pl.ds(0, _C)]], rows[b], gsem[b]
            ).wait()

        def fire_write(j, b):
            pltpu.async_copy(
                rows[b],
                out_hbm.at[pl.ds(base + j * _C, _C)],
                wsem[b],
            )

        def wait_write(b):
            pltpu.make_async_copy(
                rows[b],
                out_hbm.at[pl.ds(base, _C)],
                wsem[b],
            ).wait()

        fire_gather(0, 0)

        @pl.loop(0, steps, step=2)
        def _(g):
            wait_gather(0)

            @pl.when(g > 0)
            def _():
                wait_write(1)

            fire_gather(g + 1, 1)
            fire_write(g, 0)

            wait_gather(1)
            wait_write(0)

            @pl.when(g + 2 < steps)
            def _():
                fire_gather(g + 2, 0)

            fire_write(g + 1, 1)

        wait_write(1)

    return k(table_pad, idx)


def kernel(x, table):
    b, s = x.shape
    v, d = table.shape
    n = b * s
    table_pad = _tc_format(table.T, v, d)
    idx = x.reshape(n).astype(jnp.int32)
    out = _sc_gather(table_pad, idx, n, d)
    return out[:, :d].reshape(b, s, d)

# --- scband reference (transcript-rebuilt; emitter-appended) ---
"""Pipeline reference for scband-token-embedding-61297773249087 (READ-ONLY COPY).

The authoritative reference and input builder live on the scoring server;
editing this copy changes nothing except your own understanding.
"""

import jax, jax.numpy as jnp
import numpy as np

VOCAB = 1000000
D_MODEL = 64
BATCH = 4096
SEQ = 200

def setup_inputs(seed: int = 0) -> dict:
    key = jax.random.key(seed)
    k_idx, k_tab = jax.random.split(key)
    x = jax.random.randint(k_idx, (BATCH, SEQ), 0, VOCAB, dtype=jnp.int64 if jax.config.jax_enable_x64 else jnp.int32)
    table = jax.random.normal(k_tab, (VOCAB, D_MODEL), dtype=jnp.float32)
    return {"x": x, "table": table}

def reference(x, table):
    # nn.Embedding lookup: (B, S) -> (B, S, d_model)
    return jnp.take(table, x, axis=0)

if __name__ == "__main__":
    import jax
    _d = setup_inputs()
    print(jax.jit(kernel)(*tuple(_d.values())))

</pallas_src>

<mosaic_0001>
#map = affine_map<(d0, d1) -> (0, 0)>
#map1 = affine_map<(d0, d1) -> (0)>
module attributes {stable_mosaic.version = 14 : i64} {
  func.func @k(%arg0: i32, %arg1: i32, %arg2: memref<1000000x128xf32, #tpu.memory_space<hbm>>, %arg3: memref<819200xi32, #tpu.memory_space<hbm>>, %arg4: memref<819200x128xf32, #tpu.memory_space<hbm>>, %arg5: memref<25600xi32, #tpu.memory_space<vmem>>, %arg6: memref<256x128xf32, #tpu.memory_space<vmem>>, %arg7: memref<256x128xf32, #tpu.memory_space<vmem>>, %arg8: memref<!tpu.dma_semaphore, #tpu.memory_space<semaphore_mem>>, %arg9: memref<!tpu.dma_semaphore, #tpu.memory_space<semaphore_mem>>, %arg10: memref<!tpu.dma_semaphore, #tpu.memory_space<semaphore_mem>>, %arg11: memref<!tpu.dma_semaphore, #tpu.memory_space<semaphore_mem>>) attributes {dimension_semantics = [#tpu.dimension_semantics<core_parallel>, #tpu.dimension_semantics<subcore_parallel>], iteration_bounds = array<i64: 2, 16>, scalar_prefetch = 0 : i64, scratch_operands = 7 : i64, tpu.core_type = #tpu.core_type<sc_vector_subcore>, window_params = [{transform_indices = #map}, {transform_indices = #map1}, {transform_indices = #map}]} {
    %mul3A = arith.constant 2 : i32
    %mul3A_0 = arith.muli %arg1, %mul3A : i32
    %add3A = arith.addi %mul3A_0, %arg0 : i32
    %mul3A_1 = arith.constant 25600 : i32
    %mul3A_2 = arith.muli %add3A, %mul3A_1 : i32
    "tpu.region"() ({
      %run_scoped3A = tpu.sem_alloc : memref<!tpu.dma_semaphore, #tpu.memory_space<semaphore_mem>>
      %dma_start3A_14 = tpu.memref_slice %arg3[%mul3A_2] : memref<819200xi32, #tpu.memory_space<hbm>> -> memref<25600xi32, #tpu.memory_space<hbm>>
      %dma_start3A_15 = tpu.memref_slice %arg3[%mul3A_2] : memref<819200xi32, #tpu.memory_space<hbm>> -> memref<25600xi32, #tpu.memory_space<hbm>>
      tpu.enqueue_dma source(%dma_start3A_15 : memref<25600xi32, #tpu.memory_space<hbm>>) target(%arg5 : memref<25600xi32, #tpu.memory_space<vmem>>) target_semaphore(%run_scoped3A : memref<!tpu.dma_semaphore, #tpu.memory_space<semaphore_mem>>)
      %dma_wait3A_16 = tpu.memref_slice %arg3[%mul3A_2] : memref<819200xi32, #tpu.memory_space<hbm>> -> memref<25600xi32, #tpu.memory_space<hbm>>
      %dma_wait3A_17 = tpu.memref_slice %arg3[%mul3A_2] : memref<819200xi32, #tpu.memory_space<hbm>> -> memref<25600xi32, #tpu.memory_space<hbm>>
      tpu.wait_dma2 semaphore(%run_scoped3A : memref<!tpu.dma_semaphore, #tpu.memory_space<semaphore_mem>>) src(%dma_wait3A_17 : memref<25600xi32, #tpu.memory_space<hbm>>) dst(%arg5 : memref<25600xi32, #tpu.memory_space<vmem>>)
      tpu.yield
    }) : () -> ()
    %dma_start3A = arith.constant 0 : i32
    %dma_start3A_3 = tpu.memref_slice %arg5[%dma_start3A] : memref<25600xi32, #tpu.memory_space<vmem>> -> memref<256xi32, #tpu.memory_space<vmem>>
    %dma_start3A_4 = arith.constant 0 : i32
    %dma_start3A_5 = arith.constant 0 : i32
    %dma_start3A_6 = tpu.memref_slice %arg2[%dma_start3A_4, %dma_start3A_5] : memref<1000000x128xf32, #tpu.memory_space<hbm>> -> memref<1000000x128xf32, #tpu.memory_space<hbm>>
    tpu.enqueue_indirect_dma source(%dma_start3A_6 : memref<1000000x128xf32, #tpu.memory_space<hbm>>) target(%arg6 : memref<256x128xf32, #tpu.memory_space<vmem>>) offsets(%dma_start3A_3 : memref<256xi32, #tpu.memory_space<vmem>>) semaphore(%arg8 : memref<!tpu.dma_semaphore, #tpu.memory_space<semaphore_mem>>)
    %scan3A = arith.constant 0 : i32
    %scan3A_7 = arith.constant 50 : i32
    %scan3A_8 = arith.addi %scan3A, %scan3A_7 : i32
    %scan3A_9 = arith.constant 1 : i32
    scf.for %scan3A_14 = %scan3A to %scan3A_8 step %scan3A_9  : i32 {
      %mul3A_15 = arith.constant 2 : i32
      %mul3A_16 = arith.muli %scan3A_14, %mul3A_15 : i32
      %add3A_17 = arith.constant 0 : i32
      %add3A_18 = arith.addi %add3A_17, %mul3A_16 : i32
      %dma_wait3A_19 = arith.constant 0 : i32
      %dma_wait3A_20 = tpu.memref_slice %arg5[%dma_wait3A_19] : memref<25600xi32, #tpu.memory_space<vmem>> -> memref<256xi32, #tpu.memory_space<vmem>>
      %dma_wait3A_21 = arith.constant 0 : i32
      %dma_wait3A_22 = arith.constant 0 : i32
      %dma_wait3A_23 = tpu.memref_slice %arg2[%dma_wait3A_21, %dma_wait3A_22] : memref<1000000x128xf32, #tpu.memory_space<hbm>> -> memref<1000000x128xf32, #tpu.memory_space<hbm>>
      tpu.wait_indirect_dma semaphore(%arg8 : memref<!tpu.dma_semaphore, #tpu.memory_space<semaphore_mem>>) src(%dma_wait3A_23 : memref<1000000x128xf32, #tpu.memory_space<hbm>>) dst(%arg6 : memref<256x128xf32, #tpu.memory_space<vmem>>)
      %gt3A = arith.constant 0 : i32
      %gt3A_24 = arith.cmpi sgt, %add3A_18, %gt3A : i32
      %convert_element_type3A = arith.extui %gt3A_24 : i1 to i32
      %cond3A = arith.constant 0 : i32
      %cond3A_25 = arith.cmpi ne, %convert_element_type3A, %cond3A : i32
      scf.if %cond3A_25 {
        %dma_wait3A_65 = arith.constant 0 : i32
        %dma_wait3A_66 = tpu.memref_slice %arg4[%mul3A_2, %dma_wait3A_65] : memref<819200x128xf32, #tpu.memory_space<hbm>> -> memref<256x128xf32, #tpu.memory_space<hbm>>
        %dma_wait3A_67 = arith.constant 0 : i32
        %dma_wait3A_68 = tpu.memref_slice %arg4[%mul3A_2, %dma_wait3A_67] : memref<819200x128xf32, #tpu.memory_space<hbm>> -> memref<256x128xf32, #tpu.memory_space<hbm>>
        tpu.wait_dma2 semaphore(%arg11 : memref<!tpu.dma_semaphore, #tpu.memory_space<semaphore_mem>>) src(%arg7 : memref<256x128xf32, #tpu.memory_space<vmem>>) dst(%dma_wait3A_68 : memref<256x128xf32, #tpu.memory_space<hbm>>)
      } else {
      }
      %add3A_26 = arith.constant 1 : i32
      %add3A_27 = arith.addi %add3A_18, %add3A_26 : i32
      %mul3A_28 = arith.constant 256 : i32
      %mul3A_29 = arith.muli %add3A_27, %mul3A_28 : i32
      %dma_start3A_30 = tpu.memref_slice %arg5[%mul3A_29] : memref<25600xi32, #tpu.memory_space<vmem>> -> memref<256xi32, #tpu.memory_space<vmem>>
      %dma_start3A_31 = arith.constant 0 : i32
      %dma_start3A_32 = arith.constant 0 : i32
      %dma_start3A_33 = tpu.memref_slice %arg2[%dma_start3A_31, %dma_start3A_32] : memref<1000000x128xf32, #tpu.memory_space<hbm>> -> memref<1000000x128xf32, #tpu.memory_space<hbm>>
      tpu.enqueue_indirect_dma source(%dma_start3A_33 : memref<1000000x128xf32, #tpu.memory_space<hbm>>) target(%arg7 : memref<256x128xf32, #tpu.memory_space<vmem>>) offsets(%dma_start3A_30 : memref<256xi32, #tpu.memory_space<vmem>>) semaphore(%arg9 : memref<!tpu.dma_semaphore, #tpu.memory_space<semaphore_mem>>)
      %mul3A_34 = arith.constant 256 : i32
      %mul3A_35 = arith.muli %add3A_18, %mul3A_34 : i32
      %add3A_36 = arith.addi %mul3A_2, %mul3A_35 : i32
      %dma_start3A_37 = arith.constant 0 : i32
      %dma_start3A_38 = tpu.memref_slice %arg4[%add3A_36, %dma_start3A_37] : memref<819200x128xf32, #tpu.memory_space<hbm>> -> memref<256x128xf32, #tpu.memory_space<hbm>>
      %dma_start3A_39 = arith.constant 0 : i32
      %dma_start3A_40 = tpu.memref_slice %arg4[%add3A_36, %dma_start3A_39] : memref<819200x128xf32, #tpu.memory_space<hbm>> -> memref<256x128xf32, #tpu.memory_space<hbm>>
      tpu.enqueue_dma source(%arg6 : memref<256x128xf32, #tpu.memory_space<vmem>>) target(%dma_start3A_40 : memref<256x128xf32, #tpu.memory_space<hbm>>) target_semaphore(%arg10 : memref<!tpu.dma_semaphore, #tpu.memory_space<semaphore_mem>>)
      %dma_wait3A_41 = arith.constant 0 : i32
      %dma_wait3A_42 = tpu.memref_slice %arg5[%dma_wait3A_41] : memref<25600xi32, #tpu.memory_space<vmem>> -> memref<256xi32, #tpu.memory_space<vmem>>
      %dma_wait3A_43 = arith.constant 0 : i32
      %dma_wait3A_44 = arith.constant 0 : i32
      %dma_wait3A_45 = tpu.memref_slice %arg2[%dma_wait3A_43, %dma_wait3A_44] : memref<1000000x128xf32, #tpu.memory_space<hbm>> -> memref<1000000x128xf32, #tpu.memory_space<hbm>>
      tpu.wait_indirect_dma semaphore(%arg9 : memref<!tpu.dma_semaphore, #tpu.memory_space<semaphore_mem>>) src(%dma_wait3A_45 : memref<1000000x128xf32, #tpu.memory_space<hbm>>) dst(%arg7 : memref<256x128xf32, #tpu.memory_space<vmem>>)
      %dma_wait3A_46 = arith.constant 0 : i32
      %dma_wait3A_47 = tpu.memref_slice %arg4[%mul3A_2, %dma_wait3A_46] : memref<819200x128xf32, #tpu.memory_space<hbm>> -> memref<256x128xf32, #tpu.memory_space<hbm>>
      %dma_wait3A_48 = arith.constant 0 : i32
      %dma_wait3A_49 = tpu.memref_slice %arg4[%mul3A_2, %dma_wait3A_48] : memref<819200x128xf32, #tpu.memory_space<hbm>> -> memref<256x128xf32, #tpu.memory_space<hbm>>
      tpu.wait_dma2 semaphore(%arg10 : memref<!tpu.dma_semaphore, #tpu.memory_space<semaphore_mem>>) src(%arg6 : memref<256x128xf32, #tpu.memory_space<vmem>>) dst(%dma_wait3A_49 : memref<256x128xf32, #tpu.memory_space<hbm>>)
      %add3A_50 = arith.constant 2 : i32
      %add3A_51 = arith.addi %add3A_18, %add3A_50 : i32
      %lt3A = arith.constant 100 : i32
      %lt3A_52 = arith.cmpi slt, %add3A_51, %lt3A : i32
      %convert_element_type3A_53 = arith.extui %lt3A_52 : i1 to i32
      %cond3A_54 = arith.constant 0 : i32
      %cond3A_55 = arith.cmpi ne, %convert_element_type3A_53, %cond3A_54 : i32
      scf.if %cond3A_55 {
        %add3A_65 = arith.constant 2 : i32
        %add3A_66 = arith.addi %add3A_18, %add3A_65 : i32
        %mul3A_67 = arith.constant 256 : i32
        %mul3A_68 = arith.muli %add3A_66, %mul3A_67 : i32
        %dma_start3A_69 = tpu.memref_slice %arg5[%mul3A_68] : memref<25600xi32, #tpu.memory_space<vmem>> -> memref<256xi32, #tpu.memory_space<vmem>>
        %dma_start3A_70 = arith.constant 0 : i32
        %dma_start3A_71 = arith.constant 0 : i32
        %dma_start3A_72 = tpu.memref_slice %arg2[%dma_start3A_70, %dma_start3A_71] : memref<1000000x128xf32, #tpu.memory_space<hbm>> -> memref<1000000x128xf32, #tpu.memory_space<hbm>>
        tpu.enqueue_indirect_dma source(%dma_start3A_72 : memref<1000000x128xf32, #tpu.memory_space<hbm>>) target(%arg6 : memref<256x128xf32, #tpu.memory_space<vmem>>) offsets(%dma_start3A_69 : memref<256xi32, #tpu.memory_space<vmem>>) semaphore(%arg8 : memref<!tpu.dma_semaphore, #tpu.memory_space<semaphore_mem>>)
      } else {
      }
      %add3A_56 = arith.constant 1 : i32
      %add3A_57 = arith.addi %add3A_18, %add3A_56 : i32
      %mul3A_58 = arith.constant 256 : i32
      %mul3A_59 = arith.muli %add3A_57, %mul3A_58 : i32
      %add3A_60 = arith.addi %mul3A_2, %mul3A_59 : i32
      %dma_start3A_61 = arith.constant 0 : i32
      %dma_start3A_62 = tpu.memref_slice %arg4[%add3A_60, %dma_start3A_61] : memref<819200x128xf32, #tpu.memory_space<hbm>> -> memref<256x128xf32, #tpu.memory_space<hbm>>
      %dma_start3A_63 = arith.constant 0 : i32
      %dma_start3A_64 = tpu.memref_slice %arg4[%add3A_60, %dma_start3A_63] : memref<819200x128xf32, #tpu.memory_space<hbm>> -> memref<256x128xf32, #tpu.memory_space<hbm>>
      tpu.enqueue_dma source(%arg7 : memref<256x128xf32, #tpu.memory_space<vmem>>) target(%dma_start3A_64 : memref<256x128xf32, #tpu.memory_space<hbm>>) target_semaphore(%arg11 : memref<!tpu.dma_semaphore, #tpu.memory_space<semaphore_mem>>)
    }
    %scan3A_10 = arith.constant 50 : i32
    %dma_wait3A = arith.constant 0 : i32
    %dma_wait3A_11 = tpu.memref_slice %arg4[%mul3A_2, %dma_wait3A] : memref<819200x128xf32, #tpu.memory_space<hbm>> -> memref<256x128xf32, #tpu.memory_space<hbm>>
    %dma_wait3A_12 = arith.constant 0 : i32
    %dma_wait3A_13 = tpu.memref_slice %arg4[%mul3A_2, %dma_wait3A_12] : memref<819200x128xf32, #tpu.memory_space<hbm>> -> memref<256x128xf32, #tpu.memory_space<hbm>>
    tpu.wait_dma2 semaphore(%arg11 : memref<!tpu.dma_semaphore, #tpu.memory_space<semaphore_mem>>) src(%arg7 : memref<256x128xf32, #tpu.memory_space<vmem>>) dst(%dma_wait3A_13 : memref<256x128xf32, #tpu.memory_space<hbm>>)
    return
  }
}

module attributes {stable_mosaic.version = 14 : i64} {
  func.func @body(%arg0: i32, %arg1: memref<64x8192xf32, #tpu.memory_space<vmem>>, %arg2: memref<8192x128xf32, #tpu.memory_space<vmem>>) attributes {dimension_semantics = [#tpu.dimension_semantics<arbitrary>], iteration_bounds = array<i64: 123>, scalar_prefetch = 0 : i64, scratch_operands = 0 : i64, tpu.core_type = #tpu.core_type<tc>, window_params = [{transform_indices = @transform_0, window_bounds = array<i64: 64, 8192>}, {transform_indices = @transform_1, window_bounds = array<i64: 8192, 128>}]} {
    %get3A = arith.constant 0 : index
    %get3A_0 = arith.constant 0 : index
    %get3A_1 = vector.load %arg1[%get3A, %get3A_0] : memref<64x8192xf32, #tpu.memory_space<vmem>>, vector<64x8192xf32>
    %transpose3A = tpu.transpose %get3A_1, [1, 0] : vector<64x8192xf32> -> vector<8192x64xf32>
    %swap3A = arith.constant 0 : index
    %swap3A_2 = arith.constant 0 : index
    %swap3A_3 = vector.load %arg2[%swap3A, %swap3A_2] : memref<8192x128xf32, #tpu.memory_space<vmem>>, vector<8192x64xf32>
    tpu.vector_store %arg2[%swap3A, %swap3A_2], %transpose3A {strides = array<i32>} : memref<8192x128xf32, #tpu.memory_space<vmem>>, vector<8192x64xf32>,
    return
  }
  func.func @transform_0(%arg0: i32) -> (i32, i32) {
    %c0_i32 = arith.constant 0 : i32
    %c0_i32_0 = arith.constant 0 : i32
    return %c0_i32, %arg0 : i32, i32
  }
  func.func @transform_1(%arg0: i32) -> (i32, i32) {
    %c0_i32 = arith.constant 0 : i32
    %c0_i32_0 = arith.constant 0 : i32
    return %arg0, %c0_i32 : i32, i32
  }
}

</mosaic_0001>

<sc_bundles>
// kernel: kernel.4.cloned.1.call-start
scs
__scs_entry_jumppad:
0x0: {  	(pc) =	sbr.rel $0x88, $3  }
0x1: {  	(tag) =	ssettag $0x0;
	lr =	simm.s32 $0x1  }
0x2: {  	[smem:$0x3F9F] =	sst lr;
	_ =	strace $0xD0000000  }
0x3: {  	_ = 	snop  }
0x4: {  	_ = 	snop  }
0x5: {  	_ = 	snop  }
0x6: {  	_ = 	snop  }
0x7: {  	_ = 	snop  }
__scs_overlays_trampoline_lowered:
0x8: {  	[smem:$0x3FAE] =	sst s0  }
0x9: {  	[smem:$0x3FAF] =	sst s1  }
0xa: {  	[smem:$0x3FB0] =	sst s2  }
0xb: {  	[smem:$0x3FB1] =	sst s3  }
0xc: {  	[smem:$0x3FB2] =	sst s4  }
0xd: {  	[smem:$0x3FB3] =	sst s5  }
0xe: {  	[smem:$0x3FB4] =	sst s6  }
0xf: {  	[smem:$0x3FB5] =	sst s7  }
0x10: {  	[smem:$0x3FB6] =	sst s8  }
0x11: {  	[smem:$0x3FB7] =	sst s9;
	s0 =	simm.s32 @!p0 $0x0  }
0x12: {  	s1 =	sld [smem:$0x3F9D];
	s0 =	simm.s32 @p0 $0x1  }
0x13: {  	[smem:$0x3FB8] =	sst s0;
	s0 =	simm.s32 @!p1 $0x0  }
0x14: {  	s2 =	sld [smem:$0x3F9C];
	s0 =	simm.s32 @p1 $0x1  }
0x15: {  	[smem:$0x3FB9] =	sst s0;
	s0 =	simm.s32 @!p2 $0x0  }
0x16: {  	s3 =	sld [smem:$0x3FDB];
	s0 =	simm.s32 @p2 $0x1  }
0x17: {  	s4 =	simm.s32 $0x1BF5;
	[smem:$0x3FBB] =	sst s0  }
0x18: {  	s0 =	sld [smem:$0x3F9E];
	_ =	swait.ge [sflag:s4], $0x0  }
0x19: {  	s7 =	sld [smem:$0x3F9F]  }
0x1a: {  	s8 =	sadd.s32 $0xFFFFE003, lr  }
0x1b: {  	s9 =	sadd.s32 $0xFFFFFEF7, lr;
	s5 =	simm.s32 $0xFFFFFFFF;
	p2 =	slt.u32 s8, $0xFFFFF086  }
0x1c: {  	p1 =	slt.u32 s9, $0xF7A;
	s5 =	simm.s32 @!p2 $0x0  }
0x1d: {  	s5 =	simm.s32 @p1 $0x1;
	p0 =	seq.s32 s7, s2  }
0x1e: {  	s7 =	smul.u32 @!p0 $0xF7A, s2;
	p2 =	seq.s32 @!p0 s5, $0x0  }
0x1f: {  	s9 =	smul.u32 $0xF7A, s1;
	s8 =	simm.s32 @!p0 $0x1BF5;
	p2 =	por !p2, p0  }
0x20: {  	[sflag:s8] =	ssyncset.s32 @!p0 $0xFFFFF086;
	s6 =	sadd.s32 @!p0 s3, s7;
	s7 =	simm.s32 @!p0 $0x108  }
0x21: {  	s3 =	sadd.s32 s3, s9;
	s6 =	sadd.s32 @!p0 $0x88, s6;
	s7 =	simm.s32 @p2 $0x1082  }
0x22: {  	[simem:s7], [sflag:s8] =	dma.local @!p0 [hbm:s6], $0xF7A  }
0x23: {  	s9 =	sor.u32 $0xD0000000, s2;
	s6 =	simm.s32 $0x108;
	_ =	swait.ge @!p0 [sflag:s8], $0x0  }
0x24: {  	s3 =	sadd.s32 $0x88, s3;
	s6 =	simm.s32 @!p1 $0x1082;
	[sflag:s4] =	ssyncset.s32 $0xFFFFF086  }
0x25: {  	[simem:s6], [sflag:s4] =	dma.local [hbm:s3], $0xF7A  }
0x26: {  	[smem:$0x3F9F] =	sst s1;
	(tag) =	ssettag s2;
	_ =	strace s9  }
0x27: {  	s1 =	sld [smem:$0x3FAF]  }
0x28: {  	s2 =	sld [smem:$0x3FB0]  }
0x29: {  	s4 =	sld [smem:$0x3FB2]  }
0x2a: {  	p0 =	seq.s32 s5, $0x0;
	s5 =	sld [smem:$0x3FB3]  }
0x2b: {  	s6 =	sld [smem:$0x3FB4]  }
0x2c: {  	s7 =	sld [smem:$0x3FB5]  }
0x2d: {  	s3 =	simm.s32 $0x108;
	s8 =	sld [smem:$0x3FB6]  }
0x2e: {  	s3 =	simm.s32 @!p0 $0x1082;
	s9 =	sld [smem:$0x3FB7]  }
0x2f: {  	lr =	sadd.s32 s0, s3;
	s0 =	sld [smem:$0x3FAE]  }
0x30: {  	s3 =	sld [smem:$0x3FB1]  }
0x31: {  	[smem:$0x3FBA] =	sst s10  }
0x32: {  	s10 =	sld [smem:$0x3FB8];
	_ =	sdelay $0x3  }
0x33: {  	p0 =	seq.s32 s10, $0x1;
	s10 =	sld [smem:$0x3FBA];
	_ =	sdelay $0x3  }
0x34: {  	[smem:$0x3FBA] =	sst s10  }
0x35: {  	s10 =	sld [smem:$0x3FB9];
	_ =	sdelay $0x3  }
0x36: {  	p1 =	seq.s32 s10, $0x1;
	s10 =	sld [smem:$0x3FBA];
	_ =	sdelay $0x3  }
0x37: {  	[smem:$0x3FBA] =	sst s10  }
0x38: {  	s10 =	sld [smem:$0x3FBB]  }
0x39: {  	_ = 	snop;
	(pc) =	sbr.ind lr, $3  }
0x3a: {  	_ = 	snop  }
0x3b: {  	_ = 	snop  }
0x3c: {  	p2 =	seq.s32 s10, $0x1;
	s10 =	sld [smem:$0x3FBA]  }
0x3d: {  	_ =	shalt  }
0x3e: {  	_ =	shalt  }
0x3f: {  	_ =	shalt  }
0x40: {  	_ =	shalt  }
0x41: {  	_ =	shalt  }
0x42: {  	_ =	shalt  }
0x43: {  	_ =	shalt  }
0x44: {  	_ =	shalt  }
0x45: {  	_ =	shalt  }
0x46: {  	_ =	shalt  }
0x47: {  	_ =	shalt  }
0x48: {  	_ =	shalt  }
0x49: {  	_ =	shalt  }
0x4a: {  	_ =	shalt  }
0x4b: {  	_ =	shalt  }
0x4c: {  	_ =	shalt  }
0x4d: {  	_ =	shalt  }
0x4e: {  	_ =	shalt  }
0x4f: {  	_ =	shalt  }
0x50: {  	_ =	shalt  }
0x51: {  	_ =	shalt  }
0x52: {  	_ =	shalt  }
0x53: {  	_ =	shalt  }
0x54: {  	_ =	shalt  }
0x55: {  	_ =	shalt  }
0x56: {  	_ =	shalt  }
0x57: {  	_ =	shalt  }
0x58: {  	_ =	shalt  }
0x59: {  	_ =	shalt  }
0x5a: {  	_ =	shalt  }
0x5b: {  	_ =	shalt  }
0x5c: {  	_ =	shalt  }
0x5d: {  	_ =	shalt  }
0x5e: {  	_ =	shalt  }
0x5f: {  	_ =	shalt  }
0x60: {  	_ =	shalt  }
0x61: {  	_ =	shalt  }
0x62: {  	_ =	shalt  }
0x63: {  	_ =	shalt  }
0x64: {  	_ =	shalt  }
0x65: {  	_ =	shalt  }
0x66: {  	_ =	shalt  }
0x67: {  	_ =	shalt  }
0x68: {  	_ =	shalt  }
0x69: {  	_ =	shalt  }
0x6a: {  	_ =	shalt  }
0x6b: {  	_ =	shalt  }
0x6c: {  	_ =	shalt  }
0x6d: {  	_ =	shalt  }
0x6e: {  	_ =	shalt  }
0x6f: {  	_ =	shalt  }
0x70: {  	_ =	shalt  }
0x71: {  	_ =	shalt  }
0x72: {  	_ =	shalt  }
0x73: {  	_ =	shalt  }
0x74: {  	_ =	shalt  }
0x75: {  	_ =	shalt  }
0x76: {  	_ =	shalt  }
0x77: {  	_ =	shalt  }
0x78: {  	_ =	shalt  }
0x79: {  	_ =	shalt  }
0x7a: {  	_ =	shalt  }
0x7b: {  	_ =	shalt  }
0x7c: {  	_ =	shalt  }
0x7d: {  	_ =	shalt  }
0x7e: {  	_ =	shalt  }
0x7f: {  	_ =	shalt  }
0x80: {  	_ =	shalt  }
0x81: {  	_ =	shalt  }
0x82: {  	_ =	shalt  }
0x83: {  	_ =	shalt  }
0x84: {  	_ =	shalt  }
0x85: {  	_ =	shalt  }
0x86: {  	_ =	shalt  }
0x87: {  	_ =	shalt  }
.Lfunc_end0:
.L_simem_size_0:
called_computation.1_lowered:
.L_overlay_start_0:
0x88: {  	s2 =	sld [smem:$0x3FD9]  }
0x89: {  	s3 =	sld [smem:$0x3FFE];
	_ =	sdelay $0x1  }
0x8a: {  	s1 =	srdreg.scid  }
0x8b: {  	s0 =	sand.u32 $0x1, s1  }
0x8c: {  	s17 =	sshll.u32 s0, $0xA;
	s2 =	sadd.s32 s3, s2  }
0x8d: {  	s2 =	sadd.s32 s2, s17  }
0x8e: {  	[smem:$0x3FC6] =	sst s2  }
0x8f: {  	_ = 	snop  }
0x90: {  	s2 =	sld [smem:$0x3FD0];
	(tm) =	ssettm $0x1  }
0x91: {  	s18 =	sld [smem:$0x3FFB];
	_ =	sdelay $0x3  }
0x92: {  	_ =	strace s18  }
0x93: {  	s3 =	sld [smem:$0x3FFC];
	_ =	sdelay $0x3  }
0x94: {  	_ =	strace s3  }
0x95: {  	s3 =	sld [smem:$0x3FFD];
	_ =	sdelay $0x3  }
0x96: {  	_ =	strace s3  }
0x97: {  	_ =	strace $0x8FFFFFFF  }
0x98: {  	s19 =	sld [smem:$0x3FDB];
	_ =	sdelay $0x1  }
0x99: {  	s4 =	simm.s32 $_scs_section_size  }
0x9a: {  	s5 =	simm.s32 $_size__tile_overlayer_lowered;
	s6 =	simm.s32 $_tile_overlayer_lowered  }
0x9b: {  	s22 =	simm.s32 $0x1BFF;
	s21 =	sshll.u32 s6, $0x1;
	s3 =	sadd.s32 s4, s19  }
0x9c: {  	s7 =	simm.s32 $0x0;
	s20 =	sshll.u32 s5, $0x1;
	s5 =	sadd.s32 s21, s3  }
0x9d: {  	[timem:s7], [sflag:s22] =	dma.local [hbm:s5], s20  }
0x9e: {  	_ =	swait.ge [sflag:s22], s20  }
0x9f: {  	s4 =	ssub.s32 $0x0, s20;
	[sflag:s22] =	ssyncset.done $0x0  }
0xa0: {  	[sflag:s22] =	ssyncadd.s32 s4;
	_ =	sdelay $0x1  }
0xa1: {  	s23 =	simm.s32 $0x1B8B  }
0xa2: {  	_ =	swait.ge [sflag:s23], $0x1  }
0xa3: {  	[sflag:s23] =	ssyncset.done $0x0  }
0xa4: {  	s25 =	simm.s32 $0x1B8E;
	s24 =	sld [smem:$0x3FFE];
	[sflag:s23] =	ssyncadd.s32 $0xFFFFFFFF  }
0xa5: {  	s26 =	simm.s32 $execute0_lowered;
	[smem:$0x3FD2] =	sst s25  }
0xa6: {  	s5 =	sshll.u32 s26, $0x1;
	_ =	strace $0x80000046;
	[dreg:$0x1] =	wrdreg $0xFFFFFFFF  }
0xa7: {  	s28 =	simm.s32 $_size_execute0_lowered;
	s3 =	sadd.s32 s3, s5;
	[dreg:$0x0] =	wrdreg $0x0  }
0xa8: {  	s5 =	sshll.u32 s28, $0x1;
	[dreg:$0x2] =	wrdreg s3  }
0xa9: {  	[dreg:$0x3] =	wrdreg s5  }
0xaa: {  	[dreg:$0x4] =	wrdreg $0xC0  }
0xab: {  	_ =	task [dreg:s7], $0x5FFFF  }
0xac: {  	[dreg:$0x1] =	wrdreg $0xFFFFFFFF  }
0xad: {  	[dreg:$0x0] =	wrdreg $0x60  }
0xae: {  	[dreg:$0x2] =	wrdreg s24  }
0xaf: {  	[dreg:$0x3] =	wrdreg s2  }
0xb0: {  	[dreg:$0x4] =	wrdreg $0x9  }
0xb1: {  	_ =	task.clear_ibuf [dreg:s7], $0x5FFFF;
	_ =	strace $0x90000046  }
0xb2: {  	s29 =	simm.s32 $0x9;
	_ =	strace $0x80000048  }
0xb3: {  	_ =	swait.ge [sflag:s29], $0x1  }
0xb4: {  	[sflag:s29] =	ssyncadd.s32 $0xFFFFFFFF  }
0xb5: {  	_ =	strace $0x90000048  }
0xb6: {  	_ =	sfence  }
0xb7: {  	s30 =	sld [smem:$0x0];
	_ =	sdelay $0x2  }
0xb8: {  	s31 =	sshll.u32 s1, $0xD;
	s1 =	sshrl.u32 s1, $0x2  }
0xb9: {  	s3 =	sand.u32 $0x4000, s31;
	s1 =	sadd.s32 s1, s30  }
0xba: {  	s0 =	sor.u32 s3, s0;
	s1 =	sshll.u32 s1, $0x11  }
0xbb: {  	s0 =	sor.u32 s1, s0  }
0xbc: {  	s0 =	sadd.s32 $0x8F2B, s0  }
0xbd: {  	[sflag:s0] =	ssyncadd.remote.s32 $0x1  }
0xbe: {  	_ =	sfence.sel $0xFFFF  }
0xbf: {  	[dreg:$0x0] =	wrdreg $0xFFFFFFFF;
	(pc) =	sbr.abs _section_cstart, $3  }
0xc0: {  	[dreg:$0x1] =	wrdreg $0xFFFFFFFF  }
0xc1: {  	_ =	task.clear_ibuf [dreg:s7], $0x2FFFF;
	_ =	strace $0x9FFFFFFF  }
0xc2: {  	(tm) =	ssettm $0x7FFFFFFF  }
0xc3: {  	_ =	shalt  }
tec
execute0_lowered:
.L_overlay_start_1:
0x0: {  	(tag) =	ssettag $0x1  }
0x1: {  	s4 =	rddreg [dreg:$0x0];
	s1 =	srdreg.scid  }
0x2: {  	s0 =	stileid.u32;
	s5 =	rddreg [dreg:$0x1];
	s2 =	simm.s32 $0x0  }
0x3: {  	s16 =	simm.s32 $0xE400;
	s17 =	simm.s32 $0x2;
	s18 =	simm.s32 $0x3  }
0x4: {  	s19 =	simm.s32 $0x200;
	s20 =	simm.s32 $0x4;
	s23 =	smul.u32 $0x640000, s0  }
0x5: {  	s21 =	simm.s32 $0x6300;
	s8 =	sand.u32 $0x1, s1;
	s29 =	smul.u32 $0xC8000, s0  }
0x6: {  	s3 =	sshll.u32 s0, $0x1;
	[smem:$0x7FF] =	sst s2;
	s26 =	smul.u32 $0x320000, s8  }
0x7: {  	s13 =	sadd.s32 $0xF42C00, s4;
	s6 =	sor.u32 s8, s3;
	s30 =	smul.u32 $0x64000, s8  }
0x8: {  	s1 =	rddreg [dreg:$0x2];
	_ =	strace $0x80000047;
	s7 =	smul.u32 $0x6400, s6  }
0x9: {  	s9 =	ssub.s32 $0x2, s8;
	s3 =	sadd.s32 $0x800, s4;
	s10 =	smul.u32 $0x320000, s6  }
0xa: {  	s11 =	sshrl.u32 s9, $0x1;
	s12 =	smul.u32 $0x64000, s6;
	s15 =	sadd.s32 s29, s13  }
0xb: {  	s22 =	ssub.s32 s9, s11;
	s9 =	sadd.s32 s26, s23;
	s31 =	sadd.s32 s30, s15  }
0xc: {  	s15 =	simm.s32 $0x1;
	s24 =	sshrl.u32 s7, $0x3;
	s25 =	sshrl.u32 s10, $0x3  }
0xd: {  	s28 =	sadd.s32 s13, s12;
	s9 =	sor.u32 $0x10000, s9;
	s11 =	sadd.s32 $0x3000, s31  }
0xe: {  	s12 =	simm.s32 $0x5;
	s4 =	sadd.s32 s5, s24;
	s5 =	smax.u32 s22, $0x1  }
0xf: {  	s6 =	sadd.s32 s13, s25;
	s7 =	sadd.s32 $0x1000, s28;
	s14 =	sshrl.u32 s9, $0x3  }
0x10: {  	s9 =	sadd.s32 $0x63000, s28;
	s22 =	simm.s32 $0x0;
	s8 =	sadd.s32 $0x62000, s6  }
0x11: {  	s10 =	sadd.s32 s14, s13;
	s13 =	simm.s32 $0x100;
	s14 =	simm.s32 $0x6400  }
.LBB2_1:
0x12: {  	[tilespmem:s2], [sflag:$0x5] =	stream.linear.gather [hbm4b:s4+s2], $0x6400, $0x38;
	[tilespmem:$0x16400] =	vst v63  }
0x13: {  	_ =	swait.ge [sflag:s12], $0x6400  }
0x14: {  	[sflag:s12] =	ssyncset.done $0x0  }
0x15: {  	[sflag:s12] =	ssyncadd.s32 $0xFFFF9C00  }
0x16: {  	[tilespmem:s14], [sflag:$0x1] =	stream.indirect.gather [hbm4b:s3+s13], $0x80, s2, s13, $0xb8;
	[tilespmem:$0x16400] =	vst v63  }
0x17: {  	_ =	swait.ge [sflag:s15], $0x8000  }
0x18: {  	[sflag:s15] =	ssyncset.done $0x0  }
0x19: {  	[sflag:s15] =	ssyncadd.s32 $0xFFFF8000  }
0x1a: {  	[tilespmem:s16], [sflag:$0x2] =	stream.indirect.gather [hbm4b:s3+s13], $0x80, s13, s13, $0xb8;
	[tilespmem:$0x16400] =	vst v63  }
0x1b: {  	_ = 	snop  }
0x1c: {  	[hbm4b:s6+s2] =	stream.linear.scatter [tilespmem:s14], [sflag:$0x3], $0x8000, $0x38;
	[tilespmem:$0x16400] =	vst v63  }
0x1d: {  	_ =	swait.ge [sflag:s17], $0x8000  }
0x1e: {  	[sflag:s17] =	ssyncset.done $0x0  }
0x1f: {  	[sflag:s17] =	ssyncadd.s32 $0xFFFF8000  }
0x20: {  	_ =	swait.ge [sflag:s18], $0x8000  }
0x21: {  	[sflag:s18] =	ssyncset.done $0x0  }
0x22: {  	[sflag:s18] =	ssyncadd.s32 $0xFFFF8000  }
0x23: {  	[tilespmem:s14], [sflag:$0x1] =	stream.indirect.gather [hbm4b:s3+s13], $0x80, s19, s13, $0xb8;
	[tilespmem:$0x16400] =	vst v63  }
0x24: {  	_ = 	snop  }
0x25: {  	[hbm4b:s7+s2] =	stream.linear.scatter [tilespmem:s16], [sflag:$0x4], $0x8000, $0x38;
	[tilespmem:$0x16400] =	vst v63  }
0x26: {  	_ =	swait.ge [sflag:s15], $0x8000  }
0x27: {  	[sflag:s15] =	ssyncset.done $0x0  }
0x28: {  	[sflag:s15] =	ssyncadd.s32 $0xFFFF8000  }
0x29: {  	_ =	swait.ge [sflag:s20], $0x8000  }
0x2a: {  	[sflag:s20] =	ssyncset.done $0x0  }
0x2b: {  	s23 =	simm.s32 $0x300;
	[sflag:s20] =	ssyncadd.s32 $0xFFFF8000  }
0x2c: {  	[tilespmem:s16], [sflag:$0x2] =	stream.indirect.gather [hbm4b:s3+s13], $0x80, s23, s13, $0xb8;
	[tilespmem:$0x16400] =	vst v63  }
0x2d: {  	s30 =	sadd.s32 $0x0, s10  }
0x2e: {  	[hbm4b:s30+s2] =	stream.linear.scatter [tilespmem:s14], [sflag:$0x3], $0x8000, $0x38;
	[tilespmem:$0x16400] =	vst v63  }
0x2f: {  	_ =	swait.ge [sflag:s17], $0x8000  }
0x30: {  	[sflag:s17] =	ssyncset.done $0x0  }
0x31: {  	[sflag:s17] =	ssyncadd.s32 $0xFFFF8000  }
0x32: {  	_ =	swait.ge [sflag:s18], $0x8000  }
0x33: {  	s31 =	simm.s32 $0x400;
	s25 =	sadd.s32 $0x0, s11;
	[sflag:s18] =	ssyncset.done $0x0  }
0x34: {  	s24 =	simm.s32 $0x500;
	s23 =	simm.s32 $0x2000;
	[sflag:s18] =	ssyncadd.s32 $0xFFFF8000  }
0x35: {  	[tilespmem:s14], [sflag:$0x1] =	stream.indirect.gather [hbm4b:s3+s13], $0x80, s31, s13, $0xb8;
	[tilespmem:$0x16400] =	vst v63  }
.LBB2_2:
0x36: {  	[hbm4b:s25+s2] =	stream.linear.scatter [tilespmem:s16], [sflag:$0x4], $0x8000, $0x38;
	[tilespmem:$0x16400] =	vst v63  }
0x37: {  	s25 =	smov.u32 s23  }
0x38: {  	p0 =	sne.s32 s23, $0x5E000;
	s23 =	sadd.s32 $0x2000, s23;
	_ =	swait.ge [sflag:s15], $0x8000  }
0x39: {  	[sflag:s15] =	ssyncset.done $0x0  }
0x3a: {  	[sflag:s15] =	ssyncadd.s32 $0xFFFF8000  }
0x3b: {  	_ =	swait.ge [sflag:s20], $0x8000  }
0x3c: {  	[sflag:s20] =	ssyncset.done $0x0  }
0x3d: {  	[sflag:s20] =	ssyncadd.s32 $0xFFFF8000  }
0x3e: {  	[tilespmem:s16], [sflag:$0x2] =	stream.indirect.gather [hbm4b:s3+s13], $0x80, s24, s13, $0xb8;
	[tilespmem:$0x16400] =	vst v63  }
0x3f: {  	s26 =	sadd.s32 s25, s10  }
0x40: {  	[hbm4b:s26+s2] =	stream.linear.scatter [tilespmem:s14], [sflag:$0x3], $0x8000, $0x38;
	[tilespmem:$0x16400] =	vst v63  }
0x41: {  	_ =	swait.ge [sflag:s17], $0x8000  }
0x42: {  	[sflag:s17] =	ssyncset.done $0x0  }
0x43: {  	[sflag:s17] =	ssyncadd.s32 $0xFFFF8000  }
.Ltmp0:
0x44: {  	_ =	swait.ge [sflag:s18], $0x8000;
	(pc) =	sbr.rel @p0 .LBB2_2-.Ltmp0, $4  }
0x45: {  	[sflag:s18] =	ssyncset.done $0x0  }
0x46: {  	s26 =	sadd.s32 $0x100, s24;
	[sflag:s18] =	ssyncadd.s32 $0xFFFF8000  }
0x47: {  	[tilespmem:s14], [sflag:$0x1] =	stream.indirect.gather [hbm4b:s3+s13], $0x80, s26, s13, $0xb8;
	[tilespmem:$0x16400] =	vst v63  }
0x48: {  	s25 =	sadd.s32 s25, s11;
	s24 =	sadd.s32 $0x200, s24  }
0x49: {  	[hbm4b:s25+s2] =	stream.linear.scatter [tilespmem:s16], [sflag:$0x4], $0x8000, $0x38;
	[tilespmem:$0x16400] =	vst v63  }
0x4a: {  	_ =	swait.ge [sflag:s15], $0x8000  }
0x4b: {  	[sflag:s15] =	ssyncset.done $0x0  }
0x4c: {  	[sflag:s15] =	ssyncadd.s32 $0xFFFF8000  }
0x4d: {  	_ =	swait.ge [sflag:s20], $0x8000  }
0x4e: {  	[sflag:s20] =	ssyncset.done $0x0  }
0x4f: {  	[sflag:s20] =	ssyncadd.s32 $0xFFFF8000  }
0x50: {  	[tilespmem:s16], [sflag:$0x2] =	stream.indirect.gather [hbm4b:s3+s13], $0x80, s21, s13, $0xb8;
	[tilespmem:$0x16400] =	vst v63  }
0x51: {  	_ = 	snop  }
0x52: {  	[hbm4b:s8+s2] =	stream.linear.scatter [tilespmem:s14], [sflag:$0x3], $0x8000, $0x38;
	[tilespmem:$0x16400] =	vst v63  }
0x53: {  	_ =	swait.ge [sflag:s17], $0x8000  }
0x54: {  	[sflag:s17] =	ssyncset.done $0x0  }
0x55: {  	[sflag:s17] =	ssyncadd.s32 $0xFFFF8000  }
0x56: {  	s22 =	sadd.s32 $0x1, s22;
	_ =	swait.ge [sflag:s18], $0x8000  }
0x57: {  	p0 =	sne.s32 s22, s5;
	[sflag:s18] =	ssyncset.done $0x0  }
.Ltmp1:
0x58: {  	[sflag:s18] =	ssyncadd.s32 $0xFFFF8000;
	(pc) =	sbr.rel @p0 .LBB2_1-.Ltmp1, $4  }
0x59: {  	[hbm4b:s9+s2] =	stream.linear.scatter [tilespmem:s16], [sflag:$0x4], $0x8000, $0x38;
	[tilespmem:$0x16400] =	vst v63  }
0x5a: {  	_ =	swait.ge [sflag:s20], $0x8000  }
0x5b: {  	[sflag:s20] =	ssyncset.done $0x0  }
0x5c: {  	[sflag:s20] =	ssyncadd.s32 $0xFFFF8000  }
0x5d: {  	_ =	sfence.sel $0x180000  }
0x5e: {  	[bflag:$0x0] =	sbarrier.arrive $0xFFFF  }
0x5f: {  	p0 =	sne.s32 s0, $0x0;
	_ =	strace $0x90000047  }
0x60: {  	s0 =	sadd.s32 @!p0 $0x100000, s1;
	[bflag:$0x2] =	sbarrier.arrive $0xFFFF  }
0x61: {  	[sflag:s0] =	ssyncadd.tile.s32 @!p0 $0x1;
	_ =	shalt  }
.Lfunc_end2:
_tile_overlayer_lowered:
.L_overlay_start_2:
0x62: {  	(tag) =	ssettag $0x2  }
0x63: {  	s0 =	rddreg [dreg:$0x0];
	s2 =	stileid.u32  }
0x64: {  	s1 =	rddreg [dreg:$0x1];
	p0 =	sne.s32 s2, $0x0  }
0x65: {  	s3 =	rddreg [dreg:$0x2];
	[bflag:$0x3] =	sbarrier.arrive $0xFFFF;
	s2 =	simm.s32 @!p0 $0x1C05  }
0x66: {  	[timem:s3], [sflag:s2] =	dma.local @!p0 [hbm:s0], s1  }
0x67: {  	s0 =	simm.s32 @!p0 $0x5  }
0x68: {  	_ =	swait.ge @!p0 [sflag:s0], s1  }
0x69: {  	s1 =	ssub.s32 @!p0 $0x0, s1;
	[sflag:s0] =	ssyncset.done @!p0 $0x0  }
0x6a: {  	[sflag:s0] =	ssyncadd.s32 @!p0 s1  }
0x6b: {  	[bflag:$0x3] =	sbarrier.arrive $0xFFFF  }
0x6c: {  	_ =	shalt  }

// kernel: sparse-core-data-format-call.cloned.1.call-start
scs
called_computation_lowered:
.L_overlay_start_0:
0x0: {  	s2 =	sld [smem:$0x3FD9]  }
0x1: {  	s3 =	sld [smem:$0x3FFE];
	_ =	sdelay $0x1  }
0x2: {  	s1 =	srdreg.scid  }
0x3: {  	s0 =	sand.u32 $0x1, s1  }
0x4: {  	s18 =	sshll.u32 s0, $0xA;
	s2 =	sadd.s32 s3, s2  }
0x5: {  	s2 =	sadd.s32 s2, s18  }
0x6: {  	[smem:$0x3FC6] =	sst s2  }
0x7: {  	_ = 	snop  }
0x8: {  	s2 =	sld [smem:$0x3FD0];
	(tm) =	ssettm $0x1  }
0x9: {  	s19 =	sld [smem:$0x3FFB];
	_ =	sdelay $0x3  }
0xa: {  	_ =	strace s19  }
0xb: {  	s3 =	sld [smem:$0x3FFC];
	_ =	sdelay $0x3  }
0xc: {  	_ =	strace s3  }
0xd: {  	s3 =	sld [smem:$0x3FFD];
	_ =	sdelay $0x3  }
0xe: {  	_ =	strace s3  }
0xf: {  	_ =	strace $0x8FFFFFFF  }
0x10: {  	s20 =	sld [smem:$0x3FDB];
	_ =	sdelay $0x1  }
0x11: {  	s4 =	simm.s32 $_scs_section_size  }
0x12: {  	s5 =	simm.s32 $_size__tile_overlayer_lowered;
	s6 =	simm.s32 $_tile_overlayer_lowered  }
0x13: {  	s23 =	simm.s32 $0x1BFF;
	s22 =	sshll.u32 s6, $0x1;
	s3 =	sadd.s32 s4, s20  }
0x14: {  	s7 =	simm.s32 $0x0;
	s21 =	sshll.u32 s5, $0x1;
	s5 =	sadd.s32 s22, s3  }
0x15: {  	[timem:s7], [sflag:s23] =	dma.local [hbm:s5], s21  }
0x16: {  	_ =	swait.ge [sflag:s23], s21  }
0x17: {  	s4 =	ssub.s32 $0x0, s21;
	[sflag:s23] =	ssyncset.done $0x0  }
0x18: {  	[sflag:s23] =	ssyncadd.s32 s4;
	_ =	sdelay $0x1  }
0x19: {  	s24 =	simm.s32 $0x1B8B  }
0x1a: {  	_ =	swait.ge [sflag:s24], $0x1  }
0x1b: {  	[sflag:s24] =	ssyncset.done $0x0  }
0x1c: {  	s26 =	simm.s32 $0x1B8E;
	s25 =	sld [smem:$0x3FFE];
	[sflag:s24] =	ssyncadd.s32 $0xFFFFFFFF  }
0x1d: {  	s27 =	simm.s32 $execute0_lowered;
	[smem:$0x3FD2] =	sst s26  }
0x1e: {  	s5 =	sshll.u32 s27, $0x1;
	_ =	strace $0x80000049;
	[dreg:$0x1] =	wrdreg $0xFFFFFFFF  }
0x1f: {  	s28 =	simm.s32 $_size_execute0_lowered;
	s3 =	sadd.s32 s3, s5;
	[dreg:$0x0] =	wrdreg $0x0  }
0x20: {  	s5 =	sshll.u32 s28, $0x1;
	[dreg:$0x2] =	wrdreg s3  }
0x21: {  	[dreg:$0x3] =	wrdreg s5  }
0x22: {  	[dreg:$0x4] =	wrdreg $0xC0  }
0x23: {  	_ =	task [dreg:s7], $0x5FFFF  }
0x24: {  	[dreg:$0x1] =	wrdreg $0xFFFFFFFF  }
0x25: {  	[dreg:$0x0] =	wrdreg $0x60  }
0x26: {  	[dreg:$0x2] =	wrdreg s25  }
0x27: {  	[dreg:$0x3] =	wrdreg s2  }
0x28: {  	[dreg:$0x4] =	wrdreg $0x9  }
0x29: {  	_ =	task.clear_ibuf [dreg:s7], $0x5FFFF;
	_ =	strace $0x90000049  }
0x2a: {  	s29 =	simm.s32 $0x9;
	_ =	strace $0x8000004B  }
0x2b: {  	_ =	swait.ge [sflag:s29], $0x1  }
0x2c: {  	[sflag:s29] =	ssyncadd.s32 $0xFFFFFFFF  }
0x2d: {  	_ =	strace $0x9000004B  }
0x2e: {  	_ =	sfence  }
0x2f: {  	s30 =	sld [smem:$0x0];
	_ =	sdelay $0x2  }
0x30: {  	s31 =	sshll.u32 s1, $0xD;
	s1 =	sshrl.u32 s1, $0x2  }
0x31: {  	s3 =	sand.u32 $0x4000, s31;
	s1 =	sadd.s32 s1, s30  }
0x32: {  	s0 =	sor.u32 s3, s0;
	s1 =	sshll.u32 s1, $0x11  }
0x33: {  	s0 =	sor.u32 s1, s0  }
0x34: {  	s0 =	sadd.s32 $0x8F2B, s0  }
0x35: {  	[sflag:s0] =	ssyncadd.remote.s32 $0x1  }
0x36: {  	_ =	sfence.sel $0xFFFF  }
0x37: {  	[dreg:$0x0] =	wrdreg $0xFFFFFFFF;
	(pc) =	sbr.abs _section_cstart, $3  }
0x38: {  	[dreg:$0x1] =	wrdreg $0xFFFFFFFF  }
0x39: {  	_ =	task.clear_ibuf [dreg:s7], $0x2FFFF;
	_ =	strace $0x9FFFFFFF  }
0x3a: {  	(tm) =	ssettm $0x7FFFFFFF  }
0x3b: {  	_ =	shalt  }
tec
execute0_lowered:
.L_overlay_start_1:
0x0: {  	(tag) =	ssettag $0x1  }
0x1: {  	s0 =	srdreg.scid  }
0x2: {  	s1 =	sshll.u32 s0, $0x4  }
0x3: {  	s0 =	stileid.u32;
	s1 =	sand.u32 $0x10, s1  }
0x4: {  	s1 =	sor.u32 s0, s1  }
0x5: {  	s6 =	rddreg [dreg:$0x0];
	s4 =	simm.s32 $0x1;
	s2 =	sshll.u32 s1, $0x7  }
0x6: {  	s7 =	simm.s32 $0x2;
	s12 =	simm.s32 $0x0;
	s1 =	ssub.s32 $0x1000, s2  }
0x7: {  	s8 =	simm.s32 $0x8000;
	s13 =	simm.s32 $0x0;
	s3 =	sand.u32 $0xF80, s1  }
0x8: {  	s9 =	simm.s32 $0x0;
	s5 =	sshrl.u32 s1, $0xC;
	p0 =	sne.s32 s3, $0x0  }
.Ltmp0:
0x9: {  	s1 =	rddreg [dreg:$0x2];
	s4 =	simm.s32 @!p0 $0x0;
	(pc) =	sbr.rel .LBB1_1-.Ltmp0, $4  }
0xa: {  	s11 =	simm.s32 $0x0;
	s3 =	rddreg [dreg:$0x1];
	s5 =	sadd.s32 s4, s5  }
0xb: {  	_ =	strace $0x8000004A;
	s4 =	simm.s32 $0x1;
	s5 =	smul.u32 $0xC8, s5  }
0xc: {  	s6 =	sadd.s32 $0xF42C00, s6;
	s10 =	smov.u32 s2;
	[sflag:s4] =	ssyncpa.u1 $0x0  }
0xd: {  	p0 =	por $0x0, $0x0;
	[sflag:s7] =	ssyncpa.u1 $0x0;
	s7 =	sor.u32 $0x1, s5  }
.LBB1_4:
0xe: {  	s16 =	sshll.u32 s13, $0x3;
	s17 =	sand.u32 $0x78, s13  }
0xf: {  	s30 =	sand.u32 $0x7E00, s13;
	s12 =	sshll.u32 s12, $0xF;
	s16 =	sand.u32 $0xC00, s16  }
0x10: {  	[tilespmem:s15+$0x810 ss:$0x81] =	vst.msk $0xffff, v2;
	s31 =	sand.u32 $0x7, s13;
	s16 =	sor.u32 s17, s16;
	s17 =	sadd.s32 s3, s30  }
0x11: {  	[tilespmem:s15+$0x1020 ss:$0x81] =	vst.msk $0xffff, v0;
	s13 =	sshll.u32 s31, $0x12;
	s12 =	sadd.s32 s12, s17;
	s16 =	sshrl.u32 s16, $0x3  }
0x12: {  	[tilespmem:s15+$0x0 ss:$0x81] =	vst.msk $0xffff, v1;
	s13 =	sor.u32 $0x400, s13;
	s12 =	sadd.s32 s16, s12  }
0x13: {  	[hbm4b:s12+s13] =	stream.strided.scatter [tilespmem:s14], [sflag:$0x2], $0x2000, s8, s13, $0x20;
	[tilespmem:$0x8080] =	vst v63  }
.LBB1_5:
0x14: {  	s14 =	sadd.s32 $0x1, s9  }
0x15: {  	s12 =	sadd.s32 $0x1000, s10;
	s16 =	smov.u32 s10;
	p2 =	sgt.s32 s14, $0xC7  }
0x16: {  	s16 =	smov.u32 @p2 s12  }
0x17: {  	s14 =	simm.s32 @p2 $0x0;
	p2 =	sgt.s32 s16, $0xFFF  }
0x18: {  	s16 =	smov.u32 @p2 s2;
	p2 =	sne.s32 s11, s7  }
.Ltmp1:
0x19: {  	p1 =	slt.u32 s11, $0x2;
	(pc) =	sbr.rel @!p2 .LBB1_6-.Ltmp1, $4  }
0x1a: {  	s15 =	simm.s32 @!p1 $0x2  }
0x1b: {  	s13 =	smov.u32 s10;
	p0 =	por !p0, !p0;
	_ =	swait.ge @!p1 [sflag:s15], $0x2000  }
0x1c: {  	s12 =	smov.u32 s9;
	[sflag:s15] =	ssyncset.done @!p1 $0x0;
	s9 =	smov.u32 s14  }
0x1d: {  	s11 =	sadd.s32 $0x1, s11;
	[sflag:s15] =	ssyncadd.s32 @!p1 $0xFFFFE000;
	s10 =	smov.u32 s16  }
.LBB1_1:
0x1e: {  	p1 =	sge.u32 s11, s5  }
0x1f: {  	s14 =	sand.u32 @!p1 $0x1FFFFFF, s9  }
0x20: {  	s15 =	smulhi.u32 @!p1 $0x147AE15, s14;
	_ =	sdelay $0x1  }
0x21: {  	s15 =	smul.u32 @!p1 $0xC8, s15  }
0x22: {  	s16 =	sxor.u32 @!p1 $0xFFFFFFFF, s11;
	s17 =	smul.u32 @!p1 $0xC80, s10  }
0x23: {  	s31 =	sadd.s32 $0xFFFFFFFF, s11;
	s16 =	sshll.u32 @!p1 s16, $0xD;
	s14 =	ssub.s32 @!p1 s14, s15  }
0x24: {  	s15 =	sand.u32 @!p1 $0x2000, s16;
	s16 =	sadd.s32 @!p1 s6, s17;
	s14 =	sshll.u32 @!p1 s14, $0x4  }
0x25: {  	s17 =	simm.s32 @!p1 $0x6400;
	s14 =	sadd.s32 @!p1 s14, s16;
	s16 =	simm.s32 @!p1 $0x40  }
0x26: {  	[tilespmem:s15], [sflag:$0x1] =	stream.strided.gather @!p1 [hbm4b:s14+s16], $0x2000, s17, s16, $0x38;
	[tilespmem:$0x8080] =	vst v63  }
0x27: {  	p1 =	sge.u32 s31, s5  }
.Ltmp2:
0x28: {  	_ = 	snop;
	(pc) =	sbr.rel @p1 .LBB1_5-.Ltmp2, $1  }
0x29: {  	_ =	sdelay $0x3  }
0x2a: {  	s14 =	simm.s32 $0x1  }
0x2b: {  	_ =	swait.ge [sflag:s4], $0x2000;
	s14 =	simm.s32 @!p0 $0x0  }
0x2c: {  	[sflag:s4] =	ssyncset.done $0x0;
	s15 =	sshll.u32 s14, $0xD  }
0x2d: {  	[sflag:s4] =	ssyncadd.s32 $0xFFFFE000;
	s18 =	sor.u32 $0x20, s15  }
0x2e: {  	s14 =	smul.u32 $0x8100, s14;
	v3 =	vld [tilespmem:s18+$0x10]  }
0x2f: {  	s30 =	sand.u32 $0x1, s11;
	v2 =	vld [tilespmem:s18+$0xFFFFFFF0]  }
0x30: {  	s15 =	smul.u32 $0x8100, s30;
	s14 =	sshrl.u32 s14, $0x2;
	v0 =	vld [tilespmem:s18+$0x0]  }
0x31: {  	v1 =	vld [tilespmem:s18+$0xFFFFFFE0];
	s16 =	sor.u32 $0x4000, s14  }
0x32: {  	s31 =	sshrl.u32 s15, $0x2;
	s15 =	sadd.s32 $0x0, s16  }
0x33: {  	s17 =	simm.s32 $0x4;
	s18 =	sadd.s32 $0x40, s18;
	s14 =	sor.u32 $0x4000, s31;
	[tilespmem:s15+$0x1830 ss:$0x81] =	vst.msk $0xffff, v3  }
.LBB1_3:
0x34: {  	v3 =	vld [tilespmem:s18+$0x10];
	p1 =	sne.s32 s17, $0x1FC;
	[tilespmem:s15+$0x810 ss:$0x81] =	vst.msk $0xffff, v2;
	s19 =	smov.u32 s17;
	s17 =	sadd.s32 $0x4, s17  }
.Ltmp3:
0x35: {  	v2 =	vld [tilespmem:s18+$0xFFFFFFF0];
	[tilespmem:s15+$0x1020 ss:$0x81] =	vst.msk $0xffff, v0;
	(pc) =	sbr.rel @p1 .LBB1_3-.Ltmp3, $4  }
0x36: {  	v0 =	vld [tilespmem:s18+$0x0];
	[tilespmem:s15+$0x0 ss:$0x81] =	vst.msk $0xffff, v1  }
0x37: {  	s15 =	sshra.s32 s19, $0x2;
	v1 =	vld [tilespmem:s18+$0xFFFFFFE0]  }
0x38: {  	s15 =	sadd.s32 s15, s16  }
0x39: {  	s18 =	sadd.s32 $0x40, s18;
	[tilespmem:s15+$0x1830 ss:$0x81] =	vst.msk $0xffff, v3  }
.Ltmp4:
0x3a: {  	_ = 	snop;
	(pc) =	sbr.rel .LBB1_4-.Ltmp4, $1  }
0x3b: {  	_ =	sdelay $0x3  }
.LBB1_6:
0x3c: {  	_ =	sfence.sel $0x180000  }
0x3d: {  	s2 =	simm.s32 $0x1;
	[bflag:$0x0] =	sbarrier.arrive $0xFFFF  }
0x3e: {  	s31 =	simm.s32 $0x2;
	[sflag:s2] =	ssyncpa.u1 $0x1  }
0x3f: {  	[sflag:s31] =	ssyncpa.u1 $0x1  }
0x40: {  	p0 =	sne.s32 s0, $0x0;
	_ =	strace $0x9000004A  }
0x41: {  	s0 =	sadd.s32 @!p0 $0x100000, s1;
	[bflag:$0x2] =	sbarrier.arrive $0xFFFF  }
0x42: {  	[sflag:s0] =	ssyncadd.tile.s32 @!p0 $0x1;
	_ =	shalt  }
.Lfunc_end1:
_tile_overlayer_lowered:
.L_overlay_start_2:
0x43: {  	(tag) =	ssettag $0x2  }
0x44: {  	s0 =	rddreg [dreg:$0x0];
	s2 =	stileid.u32  }
0x45: {  	s1 =	rddreg [dreg:$0x1];
	p0 =	sne.s32 s2, $0x0  }
0x46: {  	s3 =	rddreg [dreg:$0x2];
	[bflag:$0x3] =	sbarrier.arrive $0xFFFF;
	s2 =	simm.s32 @!p0 $0x1C01  }
0x47: {  	[timem:s3], [sflag:s2] =	dma.local @!p0 [hbm:s0], s1  }
0x48: {  	s0 =	simm.s32 @!p0 $0x1  }
0x49: {  	_ =	swait.ge @!p0 [sflag:s0], s1  }
0x4a: {  	s1 =	ssub.s32 @!p0 $0x0, s1;
	[sflag:s0] =	ssyncset.done @!p0 $0x0  }
0x4b: {  	[sflag:s0] =	ssyncadd.s32 @!p0 s1  }
0x4c: {  	[bflag:$0x3] =	sbarrier.arrive $0xFFFF  }
0x4d: {  	_ =	shalt  }

</sc_bundles>
